<compile_context>
chip_gen: v7x
topology: tpu7x:2x2x1
jax: 0.10.2.dev20260603
libtpu: 0.0.44.dev20260713+nightly
codegen_flags: <defaults>
</compile_context>

<pallas_src>
import functools
import math

import jax
import jax.numpy as jnp
from jax import lax
from jax.experimental import pallas as pl
from jax.experimental.pallas import tpu as pltpu
from jax.experimental.pallas import tpu_sc as plsc

_B = 8192
_N_POS = 4096
_N_NEG = _B - _N_POS
_POS_LEN = 50000
_MARGIN = 1.0
_LAMBDA = 1.0
_GAMMA = 0.1

_PB = 512

_SC_NC = 1
_SC_NS = 16
_SC_NW = _SC_NC * _SC_NS
_SC_BPW = _N_POS // _SC_NW


def _sc_gather(u_flat, idx):
    mesh = plsc.VectorSubcoreMesh(
        core_axis_name="c", subcore_axis_name="s", num_cores=_SC_NC
    )

    @functools.partial(
        pl.kernel,
        mesh=mesh,
        out_type=jax.ShapeDtypeStruct((_N_POS,), jnp.float32),
        scratch_types=[
            pltpu.VMEM((_SC_BPW,), jnp.int32),
            pltpu.VMEM((_SC_BPW,), jnp.float32),
            pltpu.SemaphoreType.DMA,
        ],
        compiler_params=pltpu.CompilerParams(
            needs_layout_passes=False,
            use_tc_tiling_on_sc=False,
            skip_device_barrier=True,
        ),
    )
    def gk(u_hbm, idx_hbm, out_hbm, idx_v, rows_v, sem):
        wid = lax.axis_index("s") * _SC_NC + lax.axis_index("c")
        base = wid * _SC_BPW
        pltpu.sync_copy(idx_hbm.at[pl.ds(base, _SC_BPW)], idx_v)
        pltpu.async_copy(u_hbm.at[idx_v], rows_v, sem).wait()
        pltpu.sync_copy(rows_v, out_hbm.at[pl.ds(base, _SC_BPW)])

    return gk(u_flat, idx)


_C_SCALE = math.sqrt(math.log2(math.e) / _LAMBDA)
_ES_SCALE = _LAMBDA / math.log2(math.e)


def _tc_sums_body(y2_ref, se_ref, sesp_ref, fnss_ref):
    i = pl.program_id(0)

    @pl.when(i == 0)
    def _():
        fns_row = y2_ref[0:1, _N_POS:]
        fnss_ref[:, :] = jnp.transpose(fns_row, (1, 0)) * _C_SCALE

    fps = y2_ref[0:1, pl.ds(pl.multiple_of(i * _PB, _PB), _PB)]
    ap = (_MARGIN - fps) * _C_SCALE
    h2 = jnp.maximum(fnss_ref[:, :] + ap, 0.0)
    sp = h2 * h2
    e = jnp.exp2(sp)
    esp = e * sp
    se_ref[:, :] = jnp.sum(e, axis=0, keepdims=True)
    sesp_ref[:, :] = jnp.sum(esp, axis=0, keepdims=True)


def _tc_sums(y2_row):
    grid = _N_POS // _PB
    return pl.pallas_call(
        _tc_sums_body,
        grid=(grid,),
        in_specs=[pl.BlockSpec((1, _B), lambda i: (0, 0))],
        out_specs=[
            pl.BlockSpec((1, _PB), lambda i: (0, i)),
            pl.BlockSpec((1, _PB), lambda i: (0, i)),
        ],
        out_shape=[
            jax.ShapeDtypeStruct((1, _N_POS), jnp.float32),
            jax.ShapeDtypeStruct((1, _N_POS), jnp.float32),
        ],
        scratch_shapes=[pltpu.VMEM((_N_NEG, 1), jnp.float32)],
    )(y2_row)


def _tc_combine_body(se_ref, sesp_ref, uold_ref, out_ref):
    denom = (1.0 - _GAMMA) * uold_ref[:, :] + (_GAMMA / _N_NEG) * se_ref[:, :]
    out_ref[:, :] = jnp.sum(sesp_ref[:, :] / denom, keepdims=True) * (
        _ES_SCALE / (_N_POS * _N_NEG))


def _tc_combine(se, sesp, uold_row):
    return pl.pallas_call(
        _tc_combine_body,
        out_shape=jax.ShapeDtypeStruct((1, 1), jnp.float32),
    )(se, sesp, uold_row)


def kernel(y_pred, y_true, index_p, u_pos):
    del y_true
    u_old = _sc_gather(u_pos.reshape(-1), index_p)
    se, sesp = _tc_sums(y_pred.reshape(1, _B))
    loss2d = _tc_combine(se, sesp, u_old.reshape(1, _N_POS))
    return loss2d[0, 0]

# --- scband reference (transcript-rebuilt; emitter-appended) ---
"""Pipeline reference for scband-p-auc-dro-loss-45655502356910 (READ-ONLY COPY).

The authoritative reference and input builder live on the scoring server;
editing this copy changes nothing except your own understanding.
"""

import jax, jax.numpy as jnp
import numpy as np

B = 8192
N_POS = 4096
POS_LEN = 50000
MARGIN = 1.0
LAMBDA = 1.0
GAMMA = 0.1


def squared_hinge_loss(margin, t):
    return jnp.maximum(margin - t, 0.0) ** 2


def setup_inputs(seed: int = 0) -> dict:
    key = jax.random.key(seed)
    k1, k2 = jax.random.split(key)
    y_pred = jax.random.normal(k1, (B,), dtype=jnp.float32)
    # deterministic label layout: first N_POS samples are positive, rest negative,
    # so that len(index_p) == number of positives, as the module requires.
    y_true = jnp.concatenate([jnp.ones((N_POS,), dtype=jnp.int32), jnp.zeros((B - N_POS,), dtype=jnp.int32)])
    # unique dataset-level positive indices into the u_pos state of size POS_LEN
    index_p = jax.random.permutation(k2, POS_LEN)[:N_POS].astype(jnp.int32)
    # module state buffer u_pos, initialized to zeros like in __init__
    u_pos = jnp.zeros((POS_LEN, 1), dtype=jnp.float32)
    return {"y_pred": y_pred, "y_true": y_true, "index_p": index_p, "u_pos": u_pos}


def reference(y_pred, y_true, index_p, u_pos):
    y_pred = y_pred.reshape(-1, 1)
    y_true = y_true.reshape(-1, 1)
    index_p = index_p.reshape(-1)
    pos_mask = (y_true == 1).reshape(-1)
    neg_mask = (y_true == 0).reshape(-1)
    n_total = y_pred.shape[0]
    pos_idx = jnp.nonzero(pos_mask, size=N_POS)[0]
    neg_idx = jnp.nonzero(neg_mask, size=n_total - N_POS)[0]
    f_flat = y_pred.reshape(-1)
    f_ps = f_flat[pos_idx].reshape(-1, 1)
    f_ns = f_flat[neg_idx].reshape(-1)
    keep_idx = jnp.nonzero(index_p >= 0, size=index_p.shape[0])[0]
    index_p = index_p[keep_idx]
    # mat_data = f_ns.repeat(len(f_ps), 1)
    mat_data = jnp.tile(f_ns[None, :], (f_ps.shape[0], 1))
    sur_loss = squared_hinge_loss(MARGIN, f_ps - mat_data)
    exp_loss = jnp.exp(sur_loss / LAMBDA)
    u_mean = jax.lax.stop_gradient(jnp.mean(exp_loss, axis=1, keepdims=True))
    u_new = u_pos.at[index_p].set((1.0 - GAMMA) * u_pos[index_p] + GAMMA * u_mean)
    p = jax.lax.stop_gradient(exp_loss / u_new[index_p])
    loss = jnp.mean(p * sur_loss)
    return loss

if __name__ == "__main__":
    import jax
    _d = setup_inputs()
    print(jax.jit(kernel)(*tuple(_d.values())))

</pallas_src>

<mosaic_0001>
#map = affine_map<(d0, d1) -> (0)>
module attributes {stable_mosaic.version = 14 : i64} {
  func.func @gk(%arg0: i32, %arg1: i32, %arg2: memref<50000xf32, #tpu.memory_space<hbm>>, %arg3: memref<4096xi32, #tpu.memory_space<hbm>>, %arg4: memref<4096xf32, #tpu.memory_space<hbm>>, %arg5: memref<256xi32, #tpu.memory_space<vmem>>, %arg6: memref<256xf32, #tpu.memory_space<vmem>>, %arg7: memref<!tpu.dma_semaphore, #tpu.memory_space<semaphore_mem>>) attributes {dimension_semantics = [#tpu.dimension_semantics<core_parallel>, #tpu.dimension_semantics<subcore_parallel>], iteration_bounds = array<i64: 1, 16>, scalar_prefetch = 0 : i64, scratch_operands = 3 : i64, tpu.core_type = #tpu.core_type<sc_vector_subcore>, window_params = [{transform_indices = #map}, {transform_indices = #map}, {transform_indices = #map}]} {
    %mul3A = arith.constant 1 : i32
    %mul3A_0 = arith.muli %arg1, %mul3A : i32
    %add3A = arith.addi %mul3A_0, %arg0 : i32
    %mul3A_1 = arith.constant 256 : i32
    %mul3A_2 = arith.muli %add3A, %mul3A_1 : i32
    "tpu.region"() ({
      %run_scoped3A = tpu.sem_alloc : memref<!tpu.dma_semaphore, #tpu.memory_space<semaphore_mem>>
      %dma_start3A_5 = tpu.memref_slice %arg3[%mul3A_2] : memref<4096xi32, #tpu.memory_space<hbm>> -> memref<256xi32, #tpu.memory_space<hbm>>
      %dma_start3A_6 = tpu.memref_slice %arg3[%mul3A_2] : memref<4096xi32, #tpu.memory_space<hbm>> -> memref<256xi32, #tpu.memory_space<hbm>>
      tpu.enqueue_dma source(%dma_start3A_6 : memref<256xi32, #tpu.memory_space<hbm>>) target(%arg5 : memref<256xi32, #tpu.memory_space<vmem>>) target_semaphore(%run_scoped3A : memref<!tpu.dma_semaphore, #tpu.memory_space<semaphore_mem>>)
      %dma_wait3A_7 = tpu.memref_slice %arg3[%mul3A_2] : memref<4096xi32, #tpu.memory_space<hbm>> -> memref<256xi32, #tpu.memory_space<hbm>>
      %dma_wait3A_8 = tpu.memref_slice %arg3[%mul3A_2] : memref<4096xi32, #tpu.memory_space<hbm>> -> memref<256xi32, #tpu.memory_space<hbm>>
      tpu.wait_dma2 semaphore(%run_scoped3A : memref<!tpu.dma_semaphore, #tpu.memory_space<semaphore_mem>>) src(%dma_wait3A_8 : memref<256xi32, #tpu.memory_space<hbm>>) dst(%arg5 : memref<256xi32, #tpu.memory_space<vmem>>)
      tpu.yield
    }) : () -> ()
    %dma_start3A = arith.constant 0 : i32
    %dma_start3A_3 = tpu.memref_slice %arg2[%dma_start3A] : memref<50000xf32, #tpu.memory_space<hbm>> -> memref<50000xf32, #tpu.memory_space<hbm>>
    tpu.enqueue_indirect_dma source(%dma_start3A_3 : memref<50000xf32, #tpu.memory_space<hbm>>) target(%arg6 : memref<256xf32, #tpu.memory_space<vmem>>) offsets(%arg5 : memref<256xi32, #tpu.memory_space<vmem>>) semaphore(%arg7 : memref<!tpu.dma_semaphore, #tpu.memory_space<semaphore_mem>>)
    %dma_wait3A = arith.constant 0 : i32
    %dma_wait3A_4 = tpu.memref_slice %arg2[%dma_wait3A] : memref<50000xf32, #tpu.memory_space<hbm>> -> memref<50000xf32, #tpu.memory_space<hbm>>
    tpu.wait_indirect_dma semaphore(%arg7 : memref<!tpu.dma_semaphore, #tpu.memory_space<semaphore_mem>>) src(%dma_wait3A_4 : memref<50000xf32, #tpu.memory_space<hbm>>) dst(%arg6 : memref<256xf32, #tpu.memory_space<vmem>>)
    "tpu.region"() ({
      %run_scoped3A = tpu.sem_alloc : memref<!tpu.dma_semaphore, #tpu.memory_space<semaphore_mem>>
      %dma_start3A_5 = tpu.memref_slice %arg4[%mul3A_2] : memref<4096xf32, #tpu.memory_space<hbm>> -> memref<256xf32, #tpu.memory_space<hbm>>
      %dma_start3A_6 = tpu.memref_slice %arg4[%mul3A_2] : memref<4096xf32, #tpu.memory_space<hbm>> -> memref<256xf32, #tpu.memory_space<hbm>>
      tpu.enqueue_dma source(%arg6 : memref<256xf32, #tpu.memory_space<vmem>>) target(%dma_start3A_6 : memref<256xf32, #tpu.memory_space<hbm>>) target_semaphore(%run_scoped3A : memref<!tpu.dma_semaphore, #tpu.memory_space<semaphore_mem>>)
      %dma_wait3A_7 = tpu.memref_slice %arg4[%mul3A_2] : memref<4096xf32, #tpu.memory_space<hbm>> -> memref<256xf32, #tpu.memory_space<hbm>>
      %dma_wait3A_8 = tpu.memref_slice %arg4[%mul3A_2] : memref<4096xf32, #tpu.memory_space<hbm>> -> memref<256xf32, #tpu.memory_space<hbm>>
      tpu.wait_dma2 semaphore(%run_scoped3A : memref<!tpu.dma_semaphore, #tpu.memory_space<semaphore_mem>>) src(%arg6 : memref<256xf32, #tpu.memory_space<vmem>>) dst(%dma_wait3A_8 : memref<256xf32, #tpu.memory_space<hbm>>)
      tpu.yield
    }) : () -> ()
    return
  }
}

module attributes {stable_mosaic.version = 14 : i64} {
  func.func @_tc_sums_body(%arg0: i32, %arg1: memref<1x8192xf32, #tpu.memory_space<vmem>>, %arg2: memref<1x512xf32, #tpu.memory_space<vmem>>, %arg3: memref<1x512xf32, #tpu.memory_space<vmem>>, %arg4: memref<4096x1xf32, #tpu.memory_space<vmem>>) attributes {dimension_semantics = [#tpu.dimension_semantics<arbitrary>], iteration_bounds = array<i64: 8>, scalar_prefetch = 0 : i64, scratch_operands = 1 : i64, tpu.core_type = #tpu.core_type<tc>, window_params = [{pipeline_mode = #tpu.pipeline_mode<synchronous>, transform_indices = @transform_0, window_bounds = array<i64: 1, 8192>}, {transform_indices = @transform_1, window_bounds = array<i64: 1, 512>}, {transform_indices = @transform_2, window_bounds = array<i64: 1, 512>}]} {
    %eq3A = arith.constant 0 : i32
    %eq3A_0 = arith.cmpi eq, %arg0, %eq3A : i32
    %convert_element_type3A = arith.extui %eq3A_0 : i1 to i32
    %cond3A = arith.constant 0 : i32
    %cond3A_1 = arith.cmpi ne, %convert_element_type3A, %cond3A : i32
    scf.if %cond3A_1 {
      %get3A_28 = arith.constant 0 : index
      %get3A_29 = arith.constant 4096 : index
      %get3A_30 = vector.load %arg1[%get3A_28, %get3A_29] : memref<1x8192xf32, #tpu.memory_space<vmem>>, vector<1x4096xf32>
      %transpose3A = tpu.transpose %get3A_30, [1, 0] : vector<1x4096xf32> -> vector<4096x1xf32>
      %mul3A_31 = arith.constant 1.2011224 : f32
      %mul3A_32 = vector.broadcast %mul3A_31 : f32 to vector<4096x1xf32>
      %mul3A_33 = arith.mulf %transpose3A, %mul3A_32 : vector<4096x1xf32>
      %swap3A_34 = arith.constant 0 : index
      %swap3A_35 = arith.constant 0 : index
      %swap3A_36 = vector.load %arg4[%swap3A_34, %swap3A_35] : memref<4096x1xf32, #tpu.memory_space<vmem>>, vector<4096x1xf32>
      tpu.vector_store %arg4[%swap3A_34, %swap3A_35], %mul3A_33 {strides = array<i32>} : memref<4096x1xf32, #tpu.memory_space<vmem>>, vector<4096x1xf32>,
    } else {
    }
    %mul3A = arith.constant 512 : i32
    %mul3A_2 = arith.muli %arg0, %mul3A : i32
    %multiple_of3A = tpu.assume_multiple %mul3A_2, 512 : i32
    %get3A = arith.constant 0 : index
    %get3A_3 = arith.index_cast %multiple_of3A : i32 to index
    %get3A_4 = vector.load %arg1[%get3A, %get3A_3] : memref<1x8192xf32, #tpu.memory_space<vmem>>, vector<1x512xf32>
    %sub3A = arith.constant 1.000000e+00 : f32
    %sub3A_5 = vector.broadcast %sub3A : f32 to vector<1x512xf32>
    %sub3A_6 = arith.subf %sub3A_5, %get3A_4 : vector<1x512xf32>
    %mul3A_7 = arith.constant 1.2011224 : f32
    %mul3A_8 = vector.broadcast %mul3A_7 : f32 to vector<1x512xf32>
    %mul3A_9 = arith.mulf %sub3A_6, %mul3A_8 : vector<1x512xf32>
    %get3A_10 = arith.constant 0 : index
    %get3A_11 = arith.constant 0 : index
    %get3A_12 = vector.load %arg4[%get3A_10, %get3A_11] : memref<4096x1xf32, #tpu.memory_space<vmem>>, vector<4096x1xf32>
    %add3A = vector.broadcast %get3A_12 : vector<4096x1xf32> to vector<4096x512xf32>
    %add3A_13 = vector.broadcast %mul3A_9 : vector<1x512xf32> to vector<4096x512xf32>
    %add3A_14 = arith.addf %add3A, %add3A_13 : vector<4096x512xf32>
    %max3A = arith.constant 0.000000e+00 : f32
    %max3A_15 = vector.broadcast %max3A : f32 to vector<4096x512xf32>
    %max3A_16 = arith.maximumf %add3A_14, %max3A_15 : vector<4096x512xf32>
    %mul3A_17 = arith.mulf %max3A_16, %max3A_16 : vector<4096x512xf32>
    %exp23A = math.exp2 %mul3A_17 : vector<4096x512xf32>
    %mul3A_18 = arith.mulf %exp23A, %mul3A_17 : vector<4096x512xf32>
    %reduce_sum3A = arith.constant dense<0.000000e+00> : vector<512xf32>
    %reduce_sum3A_19 = vector.multi_reduction <add>, %exp23A, %reduce_sum3A [0] : vector<4096x512xf32> to vector<512xf32>
    %broadcast_in_dim3A = vector.shape_cast %reduce_sum3A_19 : vector<512xf32> to vector<1x512xf32>
    %swap3A = arith.constant 0 : index
    %swap3A_20 = arith.constant 0 : index
    %swap3A_21 = vector.load %arg2[%swap3A, %swap3A_20] : memref<1x512xf32, #tpu.memory_space<vmem>>, vector<1x512xf32>
    tpu.vector_store %arg2[%swap3A, %swap3A_20], %broadcast_in_dim3A {strides = array<i32>} : memref<1x512xf32, #tpu.memory_space<vmem>>, vector<1x512xf32>,
    %reduce_sum3A_22 = arith.constant dense<0.000000e+00> : vector<512xf32>
    %reduce_sum3A_23 = vector.multi_reduction <add>, %mul3A_18, %reduce_sum3A_22 [0] : vector<4096x512xf32> to vector<512xf32>
    %broadcast_in_dim3A_24 = vector.shape_cast %reduce_sum3A_23 : vector<512xf32> to vector<1x512xf32>
    %swap3A_25 = arith.constant 0 : index
    %swap3A_26 = arith.constant 0 : index
    %swap3A_27 = vector.load %arg3[%swap3A_25, %swap3A_26] : memref<1x512xf32, #tpu.memory_space<vmem>>, vector<1x512xf32>
    tpu.vector_store %arg3[%swap3A_25, %swap3A_26], %broadcast_in_dim3A_24 {strides = array<i32>} : memref<1x512xf32, #tpu.memory_space<vmem>>, vector<1x512xf32>,
    return
  }
  func.func @transform_0(%arg0: i32) -> (i32, i32) {
    %c0_i32 = arith.constant 0 : i32
    %c0_i32_0 = arith.constant 0 : i32
    %c0_i32_1 = arith.constant 0 : i32
    return %c0_i32, %c0_i32_0 : i32, i32
  }
  func.func @transform_1(%arg0: i32) -> (i32, i32) {
    %c0_i32 = arith.constant 0 : i32
    %c0_i32_0 = arith.constant 0 : i32
    return %c0_i32, %arg0 : i32, i32
  }
  func.func @transform_2(%arg0: i32) -> (i32, i32) {
    %c0_i32 = arith.constant 0 : i32
    %c0_i32_0 = arith.constant 0 : i32
    return %c0_i32, %arg0 : i32, i32
  }
}

module attributes {stable_mosaic.version = 14 : i64} {
  func.func @_tc_combine_body(%arg0: memref<1x4096xf32, #tpu.memory_space<vmem>>, %arg1: memref<1x4096xf32, #tpu.memory_space<vmem>>, %arg2: memref<1x4096xf32, #tpu.memory_space<vmem>>, %arg3: memref<1x1xf32, #tpu.memory_space<vmem>>) attributes {dimension_semantics = [], scalar_prefetch = 0 : i64, scratch_operands = 0 : i64, tpu.core_type = #tpu.core_type<tc>} {
    %get3A = arith.constant 0 : index
    %get3A_0 = arith.constant 0 : index
    %get3A_1 = vector.load %arg2[%get3A, %get3A_0] : memref<1x4096xf32, #tpu.memory_space<vmem>>, vector<1x4096xf32>
    %mul3A = arith.constant 0.899999976 : f32
    %mul3A_2 = vector.broadcast %mul3A : f32 to vector<1x4096xf32>
    %mul3A_3 = arith.mulf %mul3A_2, %get3A_1 : vector<1x4096xf32>
    %get3A_4 = arith.constant 0 : index
    %get3A_5 = arith.constant 0 : index
    %get3A_6 = vector.load %arg0[%get3A_4, %get3A_5] : memref<1x4096xf32, #tpu.memory_space<vmem>>, vector<1x4096xf32>
    %mul3A_7 = arith.constant 2.44140629E-5 : f32
    %mul3A_8 = vector.broadcast %mul3A_7 : f32 to vector<1x4096xf32>
    %mul3A_9 = arith.mulf %mul3A_8, %get3A_6 : vector<1x4096xf32>
    %add3A = arith.addf %mul3A_3, %mul3A_9 : vector<1x4096xf32>
    %get3A_10 = arith.constant 0 : index
    %get3A_11 = arith.constant 0 : index
    %get3A_12 = vector.load %arg1[%get3A_10, %get3A_11] : memref<1x4096xf32, #tpu.memory_space<vmem>>, vector<1x4096xf32>
    %div3A = arith.divf %get3A_12, %add3A : vector<1x4096xf32>
    %reduce_sum3A = vector.shape_cast %div3A : vector<1x4096xf32> to vector<1x1x4096xf32>
    %reduce_sum3A_13 = arith.constant dense<0.000000e+00> : vector<1xf32>
    %reduce_sum3A_14 = vector.multi_reduction <add>, %reduce_sum3A, %reduce_sum3A_13 [1, 2] : vector<1x1x4096xf32> to vector<1xf32>
    %reduce_sum3A_15 = vector.shape_cast %reduce_sum3A_14 : vector<1xf32> to vector<1x1x1xf32>
    %reduce_sum3A_16 = vector.extract %reduce_sum3A_15[0, 0, 0] : f32 from vector<1x1x1xf32>
    %broadcast_in_dim3A = vector.broadcast %reduce_sum3A_16 : f32 to vector<1x1xf32>
    %mul3A_17 = arith.constant 4.13147916E-8 : f32
    %mul3A_18 = vector.broadcast %mul3A_17 : f32 to vector<1x1xf32>
    %mul3A_19 = arith.mulf %broadcast_in_dim3A, %mul3A_18 : vector<1x1xf32>
    %swap3A = arith.constant 0 : index
    %swap3A_20 = arith.constant 0 : index
    %swap3A_21 = vector.load %arg3[%swap3A, %swap3A_20] : memref<1x1xf32, #tpu.memory_space<vmem>>, vector<1x1xf32>
    tpu.vector_store %arg3[%swap3A, %swap3A_20], %mul3A_19 {strides = array<i32>} : memref<1x1xf32, #tpu.memory_space<vmem>>, vector<1x1xf32>,
    return
  }
}

</mosaic_0001>

<sc_bundles>
// kernel: kernel.5.cloned.1.call-start
scs
__scs_entry_jumppad:
0x0: {  	(pc) =	sbr.rel $0x88, $3  }
0x1: {  	(tag) =	ssettag $0x0;
	lr =	simm.s32 $0x1  }
0x2: {  	[smem:$0x3F9E] =	sst lr;
	_ =	strace $0xD0000000  }
0x3: {  	_ = 	snop  }
0x4: {  	_ = 	snop  }
0x5: {  	_ = 	snop  }
0x6: {  	_ = 	snop  }
0x7: {  	_ = 	snop  }
__scs_overlays_trampoline_lowered:
0x8: {  	[smem:$0x3FAD] =	sst s0  }
0x9: {  	[smem:$0x3FAE] =	sst s1  }
0xa: {  	[smem:$0x3FAF] =	sst s2  }
0xb: {  	[smem:$0x3FB0] =	sst s3  }
0xc: {  	[smem:$0x3FB1] =	sst s4  }
0xd: {  	[smem:$0x3FB2] =	sst s5  }
0xe: {  	[smem:$0x3FB3] =	sst s6  }
0xf: {  	[smem:$0x3FB4] =	sst s7  }
0x10: {  	[smem:$0x3FB5] =	sst s8  }
0x11: {  	[smem:$0x3FB6] =	sst s9;
	s0 =	simm.s32 @!p0 $0x0  }
0x12: {  	s1 =	sld [smem:$0x3F9C];
	s0 =	simm.s32 @p0 $0x1  }
0x13: {  	[smem:$0x3FB7] =	sst s0;
	s0 =	simm.s32 @!p1 $0x0  }
0x14: {  	s2 =	sld [smem:$0x3F9B];
	s0 =	simm.s32 @p1 $0x1  }
0x15: {  	[smem:$0x3FB8] =	sst s0;
	s0 =	simm.s32 @!p2 $0x0  }
0x16: {  	s3 =	sld [smem:$0x3FDB];
	s0 =	simm.s32 @p2 $0x1  }
0x17: {  	s4 =	simm.s32 $0x1BF5;
	[smem:$0x3FBA] =	sst s0  }
0x18: {  	s0 =	sld [smem:$0x3F9D];
	_ =	swait.ge [sflag:s4], $0x0  }
0x19: {  	s7 =	sld [smem:$0x3F9E]  }
0x1a: {  	s8 =	sadd.s32 $0xFFFFE003, lr  }
0x1b: {  	s9 =	sadd.s32 $0xFFFFFEF7, lr;
	s5 =	simm.s32 $0xFFFFFFFF;
	p2 =	slt.u32 s8, $0xFFFFF086  }
0x1c: {  	p1 =	slt.u32 s9, $0xF7A;
	s5 =	simm.s32 @!p2 $0x0  }
0x1d: {  	s5 =	simm.s32 @p1 $0x1;
	p0 =	seq.s32 s7, s2  }
0x1e: {  	s7 =	smul.u32 @!p0 $0xF7A, s2;
	p2 =	seq.s32 @!p0 s5, $0x0  }
0x1f: {  	s9 =	smul.u32 $0xF7A, s1;
	s8 =	simm.s32 @!p0 $0x1BF5;
	p2 =	por !p2, p0  }
0x20: {  	[sflag:s8] =	ssyncset.s32 @!p0 $0xFFFFF086;
	s6 =	sadd.s32 @!p0 s3, s7;
	s7 =	simm.s32 @!p0 $0x108  }
0x21: {  	s3 =	sadd.s32 s3, s9;
	s6 =	sadd.s32 @!p0 $0x88, s6;
	s7 =	simm.s32 @p2 $0x1082  }
0x22: {  	[simem:s7], [sflag:s8] =	dma.local @!p0 [hbm:s6], $0xF7A  }
0x23: {  	s9 =	sor.u32 $0xD0000000, s2;
	s6 =	simm.s32 $0x108;
	_ =	swait.ge @!p0 [sflag:s8], $0x0  }
0x24: {  	s3 =	sadd.s32 $0x88, s3;
	s6 =	simm.s32 @!p1 $0x1082;
	[sflag:s4] =	ssyncset.s32 $0xFFFFF086  }
0x25: {  	[simem:s6], [sflag:s4] =	dma.local [hbm:s3], $0xF7A  }
0x26: {  	[smem:$0x3F9E] =	sst s1;
	(tag) =	ssettag s2;
	_ =	strace s9  }
0x27: {  	s1 =	sld [smem:$0x3FAE]  }
0x28: {  	s2 =	sld [smem:$0x3FAF]  }
0x29: {  	s4 =	sld [smem:$0x3FB1]  }
0x2a: {  	p0 =	seq.s32 s5, $0x0;
	s5 =	sld [smem:$0x3FB2]  }
0x2b: {  	s6 =	sld [smem:$0x3FB3]  }
0x2c: {  	s7 =	sld [smem:$0x3FB4]  }
0x2d: {  	s3 =	simm.s32 $0x108;
	s8 =	sld [smem:$0x3FB5]  }
0x2e: {  	s3 =	simm.s32 @!p0 $0x1082;
	s9 =	sld [smem:$0x3FB6]  }
0x2f: {  	lr =	sadd.s32 s0, s3;
	s0 =	sld [smem:$0x3FAD]  }
0x30: {  	s3 =	sld [smem:$0x3FB0]  }
0x31: {  	[smem:$0x3FB9] =	sst s10  }
0x32: {  	s10 =	sld [smem:$0x3FB7];
	_ =	sdelay $0x3  }
0x33: {  	p0 =	seq.s32 s10, $0x1;
	s10 =	sld [smem:$0x3FB9];
	_ =	sdelay $0x3  }
0x34: {  	[smem:$0x3FB9] =	sst s10  }
0x35: {  	s10 =	sld [smem:$0x3FB8];
	_ =	sdelay $0x3  }
0x36: {  	p1 =	seq.s32 s10, $0x1;
	s10 =	sld [smem:$0x3FB9];
	_ =	sdelay $0x3  }
0x37: {  	[smem:$0x3FB9] =	sst s10  }
0x38: {  	s10 =	sld [smem:$0x3FBA]  }
0x39: {  	_ = 	snop;
	(pc) =	sbr.ind lr, $3  }
0x3a: {  	_ = 	snop  }
0x3b: {  	_ = 	snop  }
0x3c: {  	p2 =	seq.s32 s10, $0x1;
	s10 =	sld [smem:$0x3FB9]  }
0x3d: {  	_ =	shalt  }
0x3e: {  	_ =	shalt  }
0x3f: {  	_ =	shalt  }
0x40: {  	_ =	shalt  }
0x41: {  	_ =	shalt  }
0x42: {  	_ =	shalt  }
0x43: {  	_ =	shalt  }
0x44: {  	_ =	shalt  }
0x45: {  	_ =	shalt  }
0x46: {  	_ =	shalt  }
0x47: {  	_ =	shalt  }
0x48: {  	_ =	shalt  }
0x49: {  	_ =	shalt  }
0x4a: {  	_ =	shalt  }
0x4b: {  	_ =	shalt  }
0x4c: {  	_ =	shalt  }
0x4d: {  	_ =	shalt  }
0x4e: {  	_ =	shalt  }
0x4f: {  	_ =	shalt  }
0x50: {  	_ =	shalt  }
0x51: {  	_ =	shalt  }
0x52: {  	_ =	shalt  }
0x53: {  	_ =	shalt  }
0x54: {  	_ =	shalt  }
0x55: {  	_ =	shalt  }
0x56: {  	_ =	shalt  }
0x57: {  	_ =	shalt  }
0x58: {  	_ =	shalt  }
0x59: {  	_ =	shalt  }
0x5a: {  	_ =	shalt  }
0x5b: {  	_ =	shalt  }
0x5c: {  	_ =	shalt  }
0x5d: {  	_ =	shalt  }
0x5e: {  	_ =	shalt  }
0x5f: {  	_ =	shalt  }
0x60: {  	_ =	shalt  }
0x61: {  	_ =	shalt  }
0x62: {  	_ =	shalt  }
0x63: {  	_ =	shalt  }
0x64: {  	_ =	shalt  }
0x65: {  	_ =	shalt  }
0x66: {  	_ =	shalt  }
0x67: {  	_ =	shalt  }
0x68: {  	_ =	shalt  }
0x69: {  	_ =	shalt  }
0x6a: {  	_ =	shalt  }
0x6b: {  	_ =	shalt  }
0x6c: {  	_ =	shalt  }
0x6d: {  	_ =	shalt  }
0x6e: {  	_ =	shalt  }
0x6f: {  	_ =	shalt  }
0x70: {  	_ =	shalt  }
0x71: {  	_ =	shalt  }
0x72: {  	_ =	shalt  }
0x73: {  	_ =	shalt  }
0x74: {  	_ =	shalt  }
0x75: {  	_ =	shalt  }
0x76: {  	_ =	shalt  }
0x77: {  	_ =	shalt  }
0x78: {  	_ =	shalt  }
0x79: {  	_ =	shalt  }
0x7a: {  	_ =	shalt  }
0x7b: {  	_ =	shalt  }
0x7c: {  	_ =	shalt  }
0x7d: {  	_ =	shalt  }
0x7e: {  	_ =	shalt  }
0x7f: {  	_ =	shalt  }
0x80: {  	_ =	shalt  }
0x81: {  	_ =	shalt  }
0x82: {  	_ =	shalt  }
0x83: {  	_ =	shalt  }
0x84: {  	_ =	shalt  }
0x85: {  	_ =	shalt  }
0x86: {  	_ =	shalt  }
0x87: {  	_ =	shalt  }
.Lfunc_end0:
.L_simem_size_0:
called_computation_lowered:
.L_overlay_start_0:
0x88: {  	s0 =	sld [smem:$0x3FD9]  }
0x89: {  	s1 =	sld [smem:$0x3FFE];
	_ =	sdelay $0x3  }
0x8a: {  	s0 =	sadd.s32 s1, s0  }
0x8b: {  	[smem:$0x3FC5] =	sst s0  }
0x8c: {  	_ = 	snop  }
0x8d: {  	s0 =	sld [smem:$0x3FC8];
	(tm) =	ssettm $0x1  }
0x8e: {  	s16 =	sld [smem:$0x3FFB];
	_ =	sdelay $0x3  }
0x8f: {  	_ =	strace s16  }
0x90: {  	s1 =	sld [smem:$0x3FFC];
	_ =	sdelay $0x3  }
0x91: {  	_ =	strace s1  }
0x92: {  	s1 =	sld [smem:$0x3FFD];
	_ =	sdelay $0x3  }
0x93: {  	_ =	strace s1  }
0x94: {  	_ =	strace $0x8FFFFFFF  }
0x95: {  	s17 =	sld [smem:$0x3FDB];
	_ =	sdelay $0x1  }
0x96: {  	s2 =	simm.s32 $_scs_section_size  }
0x97: {  	s3 =	simm.s32 $_size__tile_overlayer_lowered;
	s4 =	simm.s32 $_tile_overlayer_lowered  }
0x98: {  	s20 =	simm.s32 $0x1BFF;
	s19 =	sshll.u32 s4, $0x1;
	s1 =	sadd.s32 s2, s17  }
0x99: {  	s5 =	simm.s32 $0x0;
	s18 =	sshll.u32 s3, $0x1;
	s3 =	sadd.s32 s19, s1  }
0x9a: {  	[timem:s5], [sflag:s20] =	dma.local [hbm:s3], s18  }
0x9b: {  	_ =	swait.ge [sflag:s20], s18  }
0x9c: {  	s2 =	ssub.s32 $0x0, s18;
	[sflag:s20] =	ssyncset.done $0x0  }
0x9d: {  	[sflag:s20] =	ssyncadd.s32 s2;
	_ =	sdelay $0x1  }
0x9e: {  	s21 =	simm.s32 $0x1B8B  }
0x9f: {  	_ =	swait.ge [sflag:s21], $0x1  }
0xa0: {  	[sflag:s21] =	ssyncset.done $0x0  }
0xa1: {  	s23 =	simm.s32 $0x1B8E;
	s22 =	sld [smem:$0x3FFE];
	[sflag:s21] =	ssyncadd.s32 $0xFFFFFFFF  }
0xa2: {  	s24 =	simm.s32 $execute0_lowered;
	[smem:$0x3FD2] =	sst s23  }
0xa3: {  	s3 =	sshll.u32 s24, $0x1;
	_ =	strace $0x80000046;
	[dreg:$0x1] =	wrdreg $0xFFFFFFFF  }
0xa4: {  	s25 =	simm.s32 $_size_execute0_lowered;
	s1 =	sadd.s32 s1, s3;
	[dreg:$0x0] =	wrdreg $0x0  }
0xa5: {  	s3 =	sshll.u32 s25, $0x1;
	[dreg:$0x2] =	wrdreg s1  }
0xa6: {  	[dreg:$0x3] =	wrdreg s3  }
0xa7: {  	[dreg:$0x4] =	wrdreg $0xC0  }
0xa8: {  	_ =	task [dreg:s5], $0x5FFFF  }
0xa9: {  	[dreg:$0x1] =	wrdreg $0xFFFFFFFF  }
0xaa: {  	[dreg:$0x0] =	wrdreg $0x60  }
0xab: {  	[dreg:$0x2] =	wrdreg s22  }
0xac: {  	[dreg:$0x3] =	wrdreg s0  }
0xad: {  	[dreg:$0x4] =	wrdreg $0x9  }
0xae: {  	_ =	task.clear_ibuf [dreg:s5], $0x5FFFF;
	_ =	strace $0x90000046  }
0xaf: {  	s26 =	simm.s32 $0x9;
	_ =	strace $0x80000048  }
0xb0: {  	_ =	swait.ge [sflag:s26], $0x1  }
0xb1: {  	[sflag:s26] =	ssyncadd.s32 $0xFFFFFFFF  }
0xb2: {  	_ =	strace $0x90000048  }
0xb3: {  	_ =	sfence  }
0xb4: {  	s28 =	sld [smem:$0x0];
	_ =	sdelay $0x1  }
0xb5: {  	s29 =	srdreg.scid  }
0xb6: {  	s30 =	sshll.u32 s29, $0xD;
	s31 =	sshrl.u32 s29, $0x2  }
0xb7: {  	s2 =	sand.u32 $0x4000, s30;
	s1 =	sand.u32 $0x1, s29;
	s0 =	sadd.s32 s31, s28  }
0xb8: {  	s1 =	sor.u32 s2, s1;
	s0 =	sshll.u32 s0, $0x11  }
0xb9: {  	s0 =	sor.u32 s0, s1  }
0xba: {  	s0 =	sadd.s32 $0x8F2B, s0  }
0xbb: {  	[sflag:s0] =	ssyncadd.remote.s32 $0x1  }
0xbc: {  	_ =	sfence.sel $0xFFFF  }
0xbd: {  	[dreg:$0x0] =	wrdreg $0xFFFFFFFF;
	(pc) =	sbr.abs _section_cstart, $3  }
0xbe: {  	[dreg:$0x1] =	wrdreg $0xFFFFFFFF  }
0xbf: {  	_ =	task.clear_ibuf [dreg:s5], $0x2FFFF;
	_ =	strace $0x9FFFFFFF  }
0xc0: {  	(tm) =	ssettm $0x7FFFFFFF  }
0xc1: {  	_ =	shalt  }
tec
execute0_lowered:
.L_overlay_start_1:
0x0: {  	(tag) =	ssettag $0x1  }
0x1: {  	s0 =	rddreg [dreg:$0x0]  }
0x2: {  	s1 =	rddreg [dreg:$0x1]  }
0x3: {  	s2 =	rddreg [dreg:$0x2];
	s3 =	simm.s32 $0x0;
	s4 =	stileid.u32  }
0x4: {  	[smem:$0x7FF] =	sst s3;
	s5 =	sshll.u32 s4, $0x5  }
0x5: {  	s30 =	simm.s32 $0x2;
	_ =	strace $0x80000047;
	s1 =	sadd.s32 s1, s5  }
0x6: {  	[tilespmem:s3], [sflag:$0x2] =	stream.linear.gather [hbm4b:s1+s3], $0x100, $0x38;
	[tilespmem:$0x200] =	vst v63  }
0x7: {  	_ =	swait.ge [sflag:s30], $0x100  }
0x8: {  	s7 =	simm.s32 $0x100;
	[sflag:s30] =	ssyncset.done $0x0  }
0x9: {  	s31 =	simm.s32 $0x1;
	s6 =	sadd.s32 $0x600, s0;
	[sflag:s30] =	ssyncadd.s32 $0xFFFFFF00  }
0xa: {  	[tilespmem:s7], [sflag:$0x1] =	stream.indirect.gather [hbm4b:s6+s7], $0x1, s3, s7, $0xb8;
	[tilespmem:$0x200] =	vst v63  }
0xb: {  	_ =	swait.ge [sflag:s31], $0x100  }
0xc: {  	s0 =	sadd.s32 s5, s0;
	[sflag:s31] =	ssyncset.done $0x0  }
0xd: {  	s0 =	sadd.s32 $0x2000, s0;
	[sflag:s31] =	ssyncadd.s32 $0xFFFFFF00  }
0xe: {  	[hbm4b:s0+s3] =	stream.linear.scatter [tilespmem:s7], [sflag:$0x2], $0x100, $0x38;
	[tilespmem:$0x200] =	vst v63  }
0xf: {  	_ =	swait.ge [sflag:s30], $0x100  }
0x10: {  	[sflag:s30] =	ssyncset.done $0x0  }
0x11: {  	[sflag:s30] =	ssyncadd.s32 $0xFFFFFF00  }
0x12: {  	_ =	sfence.sel $0x180000  }
0x13: {  	[bflag:$0x0] =	sbarrier.arrive $0xFFFF  }
0x14: {  	p0 =	sne.s32 s4, $0x0;
	_ =	strace $0x90000047  }
0x15: {  	s0 =	sadd.s32 @!p0 $0x100000, s2;
	[bflag:$0x2] =	sbarrier.arrive $0xFFFF  }
0x16: {  	[sflag:s0] =	ssyncadd.tile.s32 @!p0 $0x1;
	_ =	shalt  }
.Lfunc_end2:
_tile_overlayer_lowered:
.L_overlay_start_2:
0x17: {  	(tag) =	ssettag $0x2  }
0x18: {  	s0 =	rddreg [dreg:$0x0];
	s2 =	stileid.u32  }
0x19: {  	s1 =	rddreg [dreg:$0x1];
	p0 =	sne.s32 s2, $0x0  }
0x1a: {  	s3 =	rddreg [dreg:$0x2];
	[bflag:$0x3] =	sbarrier.arrive $0xFFFF;
	s2 =	simm.s32 @!p0 $0x1C02  }
0x1b: {  	[timem:s3], [sflag:s2] =	dma.local @!p0 [hbm:s0], s1  }
0x1c: {  	s0 =	simm.s32 @!p0 $0x2  }
0x1d: {  	_ =	swait.ge @!p0 [sflag:s0], s1  }
0x1e: {  	s1 =	ssub.s32 @!p0 $0x0, s1;
	[sflag:s0] =	ssyncset.done @!p0 $0x0  }
0x1f: {  	[sflag:s0] =	ssyncadd.s32 @!p0 s1  }
0x20: {  	[bflag:$0x3] =	sbarrier.arrive $0xFFFF  }
0x21: {  	_ =	shalt  }

</sc_bundles>
